<compile_context>
chip_gen: v7x
topology: tpu7x:2x2x1
jax: 0.10.2.dev20260603
libtpu: 0.0.44.dev20260713+nightly
codegen_flags: <defaults>
</compile_context>

<pallas_src>
import functools

import jax
import jax.numpy as jnp
from jax.experimental import pallas as pl
from jax.experimental.pallas import tpu as pltpu

MAXD = 5
LANES = 128


def _body(nn_ref, dist_ref, texp_ref, out_ref, *, rows, n, h):
    b = pl.program_id(0)
    r = pl.program_id(1)
    nn = nn_ref[b]
    d = dist_ref[0]
    idx = jnp.clip(d, -1, MAXD) + 1
    jio = jax.lax.broadcasted_iota(jnp.int32, (rows, n), 1)
    iio = jax.lax.broadcasted_iota(jnp.int32, (rows, n), 0) + r * rows
    valid = (jio < nn) & (iio < nn)
    idx = jnp.where(valid, idx, 0)

    jper = LANES // h
    ss = jax.lax.broadcasted_iota(jnp.int32, (rows, h, LANES), 1)
    ll = jax.lax.broadcasted_iota(jnp.int32, (rows, h, LANES), 2)
    patt = ss * jper + (ll // h)
    trows = [texp_ref[k, 0:LANES] for k in range(MAXD + 2)]
    for c in range(n // LANES):
        src = jnp.broadcast_to(
            idx[:, None, c * LANES : (c + 1) * LANES], (rows, h, LANES)
        )
        part = jnp.take_along_axis(src, patt, axis=2)
        acc = jnp.zeros((rows, h, LANES), jnp.float32)
        for k in range(1, MAXD + 2):
            acc = jnp.where(part == k, trows[k], acc)
        out_ref[:, c, :, :] = acc


def kernel(dist, batch_num_nodes, embedding_table):
    B, N, _ = dist.shape
    K, H = embedding_table.shape
    texp = jnp.zeros((8, LANES), jnp.float32).at[:K].set(
        jnp.tile(embedding_table, (1, LANES // H))
    )
    ROWS = 256
    grid = (B, N // ROWS)
    C = N // LANES

    out = pl.pallas_call(
        functools.partial(_body, rows=ROWS, n=N, h=H),
        grid_spec=pltpu.PrefetchScalarGridSpec(
            num_scalar_prefetch=1,
            grid=grid,
            in_specs=[
                pl.BlockSpec((1, ROWS, N), lambda b, r, nn: (b, r, 0)),
                pl.BlockSpec((8, LANES), lambda b, r, nn: (0, 0)),
            ],
            out_specs=pl.BlockSpec(
                (ROWS, C, H, LANES),
                lambda b, r, nn: (b * (N // ROWS) + r, 0, 0, 0),
            ),
        ),
        out_shape=jax.ShapeDtypeStruct((B * N, C, H, LANES), jnp.float32),
    )(batch_num_nodes.astype(jnp.int32), dist, texp)
    return out.reshape(B, N, N, H)

# --- scband reference (transcript-rebuilt; emitter-appended) ---
"""Pipeline reference for scband-spatial-encoder-12945031430610 (READ-ONLY COPY).

The authoritative reference and input builder live on the scoring server;
editing this copy changes nothing except your own understanding.
"""

import jax, jax.numpy as jnp
import numpy as np

MAX_DIST = 5
NUM_HEADS = 8
B, N = 16, 512


def setup_inputs(seed: int = 0) -> dict:
    key = jax.random.key(seed)
    k1, k2, k3 = jax.random.split(key, 3)
    # Raw shortest-path distances per padded pair; -1 encodes unreachable (matches
    # dgl.shortest_dist convention). Values beyond max_dist get clamped in forward.
    dist = jax.random.randint(k1, (B, N, N), -1, 20, dtype=jnp.int32)
    batch_num_nodes = jax.random.randint(k2, (B,), 1, N + 1, dtype=jnp.int32)
    table = jax.random.normal(k3, (MAX_DIST + 2, NUM_HEADS), dtype=jnp.float32)
    table = table.at[0].set(0.0)  # padding_idx=0
    return {"dist": dist, "batch_num_nodes": batch_num_nodes, "embedding_table": table}


def reference(dist, batch_num_nodes, embedding_table):
    # padding_idx=0 semantics: row 0 is always zeros
    table = embedding_table.at[0].set(0.0)
    # clamp(shortest_dist, min=-1, max=max_dist) + 1  -> indices in [0, max_dist+1]
    idx = jnp.clip(dist, -1, MAX_DIST) + 1
    emb = jnp.take(table, idx, axis=0)  # [B, N, N, H] gather (SparseCore embedding lookup)
    ar = jnp.arange(N)
    valid = ar[None, :] < batch_num_nodes[:, None]  # [B, N]
    mask = valid[:, :, None] & valid[:, None, :]  # [B, N, N] (zeros outside :num_nodes block)
    spatial_encoding = emb * mask[..., None].astype(emb.dtype)
    return spatial_encoding

if __name__ == "__main__":
    import jax
    _d = setup_inputs()
    print(jax.jit(kernel)(*tuple(_d.values())))

</pallas_src>

<mosaic_0001>
module attributes {stable_mosaic.version = 14 : i64} {
  func.func @_body(%arg0: i32, %arg1: i32, %arg2: memref<16xi32, #tpu.memory_space<smem>>, %arg3: memref<1x256x512xi32, #tpu.memory_space<vmem>>, %arg4: memref<8x128xf32, #tpu.memory_space<vmem>>, %arg5: memref<256x4x8x128xf32, #tpu.memory_space<vmem>>) attributes {dimension_semantics = [#tpu.dimension_semantics<arbitrary>, #tpu.dimension_semantics<arbitrary>], iteration_bounds = array<i64: 16, 2>, scalar_prefetch = 1 : i64, scratch_operands = 0 : i64, tpu.core_type = #tpu.core_type<tc>, window_params = [{transform_indices = @transform_0, window_bounds = array<i64: 1, 256, 512>}, {pipeline_mode = #tpu.pipeline_mode<synchronous>, transform_indices = @transform_1, window_bounds = array<i64: 8, 128>}, {transform_indices = @transform_2, window_bounds = array<i64: 256, 4, 8, 128>}]} {
    %get3A = arith.index_cast %arg0 : i32 to index
    %get3A_0 = memref.load %arg2[%get3A] : memref<16xi32, #tpu.memory_space<smem>>
    %get3A_1 = arith.constant 0 : index
    %get3A_2 = arith.constant 0 : index
    %get3A_3 = arith.constant 0 : index
    %get3A_4 = vector.load %arg3[%get3A_1, %get3A_2, %get3A_3] : memref<1x256x512xi32, #tpu.memory_space<vmem>>, vector<1x256x512xi32>
    %get3A_5 = vector.shape_cast %get3A_4 : vector<1x256x512xi32> to vector<256x512xi32>
    %jit3A = arith.constant -1 : i32
    %jit3A_6 = arith.constant 5 : i32
    %max3A = vector.broadcast %jit3A : i32 to vector<256x512xi32>
    %max3A_7 = arith.maxsi %max3A, %get3A_5 : vector<256x512xi32>
    %min3A = vector.broadcast %jit3A_6 : i32 to vector<256x512xi32>
    %min3A_8 = arith.minsi %min3A, %max3A_7 : vector<256x512xi32>
    %add3A = arith.constant 1 : i32
    %add3A_9 = vector.broadcast %add3A : i32 to vector<256x512xi32>
    %add3A_10 = arith.addi %min3A_8, %add3A_9 : vector<256x512xi32>
    %iota3A = tpu.iota {dimensions = array<i32: 1>} : vector<256x512xi32>
    %iota3A_11 = tpu.iota {dimensions = array<i32: 0>} : vector<256x512xi32>
    %mul3A = arith.constant 256 : i32
    %mul3A_12 = arith.muli %arg1, %mul3A : i32
    %add3A_13 = vector.broadcast %mul3A_12 : i32 to vector<256x512xi32>
    %add3A_14 = arith.addi %iota3A_11, %add3A_13 : vector<256x512xi32>
    %lt3A = vector.broadcast %get3A_0 : i32 to vector<256x512xi32>
    %lt3A_15 = arith.cmpi slt, %iota3A, %lt3A : vector<256x512xi32>
    %lt3A_16 = vector.broadcast %get3A_0 : i32 to vector<256x512xi32>
    %lt3A_17 = arith.cmpi slt, %add3A_14, %lt3A_16 : vector<256x512xi32>
    %and3A = arith.andi %lt3A_15, %lt3A_17 : vector<256x512xi1>
    %jit3A_18 = arith.constant 0 : i32
    %broadcast_in_dim3A = vector.broadcast %jit3A_18 : i32 to vector<256x512xi32>
    %select_n3A = arith.select %and3A, %add3A_10, %broadcast_in_dim3A : vector<256x512xi1>, vector<256x512xi32>
    %iota3A_19 = tpu.iota {dimensions = array<i32: 1>} : vector<256x8x128xi32>
    %iota3A_20 = tpu.iota {dimensions = array<i32: 2>} : vector<256x8x128xi32>
    %mul3A_21 = arith.constant 16 : i32
    %mul3A_22 = vector.broadcast %mul3A_21 : i32 to vector<256x8x128xi32>
    %mul3A_23 = arith.muli %iota3A_19, %mul3A_22 : vector<256x8x128xi32>
    %jit3A_24 = arith.constant 8 : i32
    %div3A = vector.broadcast %jit3A_24 : i32 to vector<256x8x128xi32>
    %div3A_25 = arith.divsi %iota3A_20, %div3A : vector<256x8x128xi32>
    %sign3A = arith.constant 0 : i32
    %sign3A_26 = vector.broadcast %sign3A : i32 to vector<256x8x128xi32>
    %sign3A_27 = arith.cmpi sgt, %iota3A_20, %sign3A_26 : vector<256x8x128xi32>
    %sign3A_28 = arith.extui %sign3A_27 : vector<256x8x128xi1> to vector<256x8x128xi32>
    %sign3A_29 = arith.constant 0 : i32
    %sign3A_30 = vector.broadcast %sign3A_29 : i32 to vector<256x8x128xi32>
    %sign3A_31 = arith.cmpi slt, %iota3A_20, %sign3A_30 : vector<256x8x128xi32>
    %sign3A_32 = arith.extui %sign3A_31 : vector<256x8x128xi1> to vector<256x8x128xi32>
    %sign3A_33 = arith.subi %sign3A_28, %sign3A_32 : vector<256x8x128xi32>
    %sign3A_34 = arith.constant 0 : i32
    %sign3A_35 = arith.cmpi sgt, %jit3A_24, %sign3A_34 : i32
    %sign3A_36 = arith.extui %sign3A_35 : i1 to i32
    %sign3A_37 = arith.constant 0 : i32
    %sign3A_38 = arith.cmpi slt, %jit3A_24, %sign3A_37 : i32
    %sign3A_39 = arith.extui %sign3A_38 : i1 to i32
    %sign3A_40 = arith.subi %sign3A_36, %sign3A_39 : i32
    %ne3A = vector.broadcast %sign3A_40 : i32 to vector<256x8x128xi32>
    %ne3A_41 = arith.cmpi ne, %sign3A_33, %ne3A : vector<256x8x128xi32>
    %rem3A = vector.broadcast %jit3A_24 : i32 to vector<256x8x128xi32>
    %rem3A_42 = arith.remsi %iota3A_20, %rem3A : vector<256x8x128xi32>
    %ne3A_43 = arith.constant 0 : i32
    %ne3A_44 = vector.broadcast %ne3A_43 : i32 to vector<256x8x128xi32>
    %ne3A_45 = arith.cmpi ne, %rem3A_42, %ne3A_44 : vector<256x8x128xi32>
    %and3A_46 = arith.andi %ne3A_41, %ne3A_45 : vector<256x8x128xi1>
    %sub3A = arith.constant 1 : i32
    %sub3A_47 = vector.broadcast %sub3A : i32 to vector<256x8x128xi32>
    %sub3A_48 = arith.subi %div3A_25, %sub3A_47 : vector<256x8x128xi32>
    %select_n3A_49 = arith.select %and3A_46, %sub3A_48, %div3A_25 : vector<256x8x128xi1>, vector<256x8x128xi32>
    %add3A_50 = arith.addi %mul3A_23, %select_n3A_49 : vector<256x8x128xi32>
    %get3A_51 = arith.constant 1 : index
    %get3A_52 = arith.constant 0 : index
    %get3A_53 = vector.load %arg4[%get3A_51, %get3A_52] : memref<8x128xf32, #tpu.memory_space<vmem>>, vector<1x128xf32>
    %get3A_54 = vector.shape_cast %get3A_53 : vector<1x128xf32> to vector<128xf32>
    %get3A_55 = arith.constant 2 : index
    %get3A_56 = arith.constant 0 : index
    %get3A_57 = vector.load %arg4[%get3A_55, %get3A_56] : memref<8x128xf32, #tpu.memory_space<vmem>>, vector<1x128xf32>
    %get3A_58 = vector.shape_cast %get3A_57 : vector<1x128xf32> to vector<128xf32>
    %get3A_59 = arith.constant 3 : index
    %get3A_60 = arith.constant 0 : index
    %get3A_61 = vector.load %arg4[%get3A_59, %get3A_60] : memref<8x128xf32, #tpu.memory_space<vmem>>, vector<1x128xf32>
    %get3A_62 = vector.shape_cast %get3A_61 : vector<1x128xf32> to vector<128xf32>
    %get3A_63 = arith.constant 4 : index
    %get3A_64 = arith.constant 0 : index
    %get3A_65 = vector.load %arg4[%get3A_63, %get3A_64] : memref<8x128xf32, #tpu.memory_space<vmem>>, vector<1x128xf32>
    %get3A_66 = vector.shape_cast %get3A_65 : vector<1x128xf32> to vector<128xf32>
    %get3A_67 = arith.constant 5 : index
    %get3A_68 = arith.constant 0 : index
    %get3A_69 = vector.load %arg4[%get3A_67, %get3A_68] : memref<8x128xf32, #tpu.memory_space<vmem>>, vector<1x128xf32>
    %get3A_70 = vector.shape_cast %get3A_69 : vector<1x128xf32> to vector<128xf32>
    %get3A_71 = arith.constant 6 : index
    %get3A_72 = arith.constant 0 : index
    %get3A_73 = vector.load %arg4[%get3A_71, %get3A_72] : memref<8x128xf32, #tpu.memory_space<vmem>>, vector<1x128xf32>
    %get3A_74 = vector.shape_cast %get3A_73 : vector<1x128xf32> to vector<128xf32>
    %slice3A = vector.extract_strided_slice %select_n3A {offsets = [0, 0], sizes = [256, 128], strides = [1, 1]} : vector<256x512xi32> to vector<256x128xi32>
    %broadcast_in_dim3A_75 = vector.shape_cast %slice3A : vector<256x128xi32> to vector<256x1x128xi32>
    %broadcast_in_dim3A_76 = vector.shape_cast %broadcast_in_dim3A_75 : vector<256x1x128xi32> to vector<256x1x128xi32>
    %broadcast_in_dim3A_77 = vector.broadcast %broadcast_in_dim3A_76 : vector<256x1x128xi32> to vector<256x8x128xi32>
    %lt3A_78 = arith.constant 0 : i32
    %lt3A_79 = vector.broadcast %lt3A_78 : i32 to vector<256x8x128xi32>
    %lt3A_80 = arith.cmpi slt, %add3A_50, %lt3A_79 : vector<256x8x128xi32>
    %add3A_81 = arith.constant 128 : i32
    %add3A_82 = vector.broadcast %add3A_81 : i32 to vector<256x8x128xi32>
    %add3A_83 = arith.addi %add3A_50, %add3A_82 : vector<256x8x128xi32>
    %select_n3A_84 = arith.select %lt3A_80, %add3A_83, %add3A_50 : vector<256x8x128xi1>, vector<256x8x128xi32>
    %reshape3A = vector.shape_cast %select_n3A_84 : vector<256x8x128xi32> to vector<256x8x128x1xi32>
    %gather3A = vector.shape_cast %reshape3A : vector<256x8x128x1xi32> to vector<256x8x128xi32>
    %gather3A_85 = tpu.dynamic_gather %broadcast_in_dim3A_77[%gather3A] in [2] : vector<256x8x128xi32>, vector<256x8x128xi32> -> vector<256x8x128xi32>
    %broadcast_in_dim3A_86 = arith.constant 0.000000e+00 : f32
    %broadcast_in_dim3A_87 = vector.broadcast %broadcast_in_dim3A_86 : f32 to vector<256x8x128xf32>
    %eq3A = arith.constant 1 : i32
    %eq3A_88 = vector.broadcast %eq3A : i32 to vector<256x8x128xi32>
    %eq3A_89 = arith.cmpi eq, %gather3A_85, %eq3A_88 : vector<256x8x128xi32>
    %broadcast_in_dim3A_90 = vector.shape_cast %get3A_54 : vector<128xf32> to vector<1x1x128xf32>
    %broadcast_in_dim3A_91 = vector.broadcast %broadcast_in_dim3A_90 : vector<1x1x128xf32> to vector<256x8x128xf32>
    %select_n3A_92 = arith.select %eq3A_89, %broadcast_in_dim3A_91, %broadcast_in_dim3A_87 : vector<256x8x128xi1>, vector<256x8x128xf32>
    %eq3A_93 = arith.constant 2 : i32
    %eq3A_94 = vector.broadcast %eq3A_93 : i32 to vector<256x8x128xi32>
    %eq3A_95 = arith.cmpi eq, %gather3A_85, %eq3A_94 : vector<256x8x128xi32>
    %broadcast_in_dim3A_96 = vector.shape_cast %get3A_58 : vector<128xf32> to vector<1x1x128xf32>
    %broadcast_in_dim3A_97 = vector.broadcast %broadcast_in_dim3A_96 : vector<1x1x128xf32> to vector<256x8x128xf32>
    %select_n3A_98 = arith.select %eq3A_95, %broadcast_in_dim3A_97, %select_n3A_92 : vector<256x8x128xi1>, vector<256x8x128xf32>
    %eq3A_99 = arith.constant 3 : i32
    %eq3A_100 = vector.broadcast %eq3A_99 : i32 to vector<256x8x128xi32>
    %eq3A_101 = arith.cmpi eq, %gather3A_85, %eq3A_100 : vector<256x8x128xi32>
    %broadcast_in_dim3A_102 = vector.shape_cast %get3A_62 : vector<128xf32> to vector<1x1x128xf32>
    %broadcast_in_dim3A_103 = vector.broadcast %broadcast_in_dim3A_102 : vector<1x1x128xf32> to vector<256x8x128xf32>
    %select_n3A_104 = arith.select %eq3A_101, %broadcast_in_dim3A_103, %select_n3A_98 : vector<256x8x128xi1>, vector<256x8x128xf32>
    %eq3A_105 = arith.constant 4 : i32
    %eq3A_106 = vector.broadcast %eq3A_105 : i32 to vector<256x8x128xi32>
    %eq3A_107 = arith.cmpi eq, %gather3A_85, %eq3A_106 : vector<256x8x128xi32>
    %broadcast_in_dim3A_108 = vector.shape_cast %get3A_66 : vector<128xf32> to vector<1x1x128xf32>
    %broadcast_in_dim3A_109 = vector.broadcast %broadcast_in_dim3A_108 : vector<1x1x128xf32> to vector<256x8x128xf32>
    %select_n3A_110 = arith.select %eq3A_107, %broadcast_in_dim3A_109, %select_n3A_104 : vector<256x8x128xi1>, vector<256x8x128xf32>
    %eq3A_111 = arith.constant 5 : i32
    %eq3A_112 = vector.broadcast %eq3A_111 : i32 to vector<256x8x128xi32>
    %eq3A_113 = arith.cmpi eq, %gather3A_85, %eq3A_112 : vector<256x8x128xi32>
    %broadcast_in_dim3A_114 = vector.shape_cast %get3A_70 : vector<128xf32> to vector<1x1x128xf32>
    %broadcast_in_dim3A_115 = vector.broadcast %broadcast_in_dim3A_114 : vector<1x1x128xf32> to vector<256x8x128xf32>
    %select_n3A_116 = arith.select %eq3A_113, %broadcast_in_dim3A_115, %select_n3A_110 : vector<256x8x128xi1>, vector<256x8x128xf32>
    %eq3A_117 = arith.constant 6 : i32
    %eq3A_118 = vector.broadcast %eq3A_117 : i32 to vector<256x8x128xi32>
    %eq3A_119 = arith.cmpi eq, %gather3A_85, %eq3A_118 : vector<256x8x128xi32>
    %broadcast_in_dim3A_120 = vector.shape_cast %get3A_74 : vector<128xf32> to vector<1x1x128xf32>
    %broadcast_in_dim3A_121 = vector.broadcast %broadcast_in_dim3A_120 : vector<1x1x128xf32> to vector<256x8x128xf32>
    %select_n3A_122 = arith.select %eq3A_119, %broadcast_in_dim3A_121, %select_n3A_116 : vector<256x8x128xi1>, vector<256x8x128xf32>
    %swap3A = arith.constant 0 : index
    %swap3A_123 = arith.constant 0 : index
    %swap3A_124 = arith.constant 0 : index
    %swap3A_125 = arith.constant 0 : index
    %swap3A_126 = vector.load %arg5[%swap3A, %swap3A_123, %swap3A_124, %swap3A_125] : memref<256x4x8x128xf32, #tpu.memory_space<vmem>>, vector<256x1x8x128xf32>
    %swap3A_127 = vector.shape_cast %swap3A_126 : vector<256x1x8x128xf32> to vector<256x8x128xf32>
    %swap3A_128 = vector.shape_cast %select_n3A_122 : vector<256x8x128xf32> to vector<256x1x8x128xf32>
    tpu.vector_store %arg5[%swap3A, %swap3A_123, %swap3A_124, %swap3A_125], %swap3A_128 {strides = array<i32>} : memref<256x4x8x128xf32, #tpu.memory_space<vmem>>, vector<256x1x8x128xf32>,
    %slice3A_129 = vector.extract_strided_slice %select_n3A {offsets = [0, 128], sizes = [256, 128], strides = [1, 1]} : vector<256x512xi32> to vector<256x128xi32>
    %broadcast_in_dim3A_130 = vector.shape_cast %slice3A_129 : vector<256x128xi32> to vector<256x1x128xi32>
    %broadcast_in_dim3A_131 = vector.shape_cast %broadcast_in_dim3A_130 : vector<256x1x128xi32> to vector<256x1x128xi32>
    %broadcast_in_dim3A_132 = vector.broadcast %broadcast_in_dim3A_131 : vector<256x1x128xi32> to vector<256x8x128xi32>
    %lt3A_133 = arith.constant 0 : i32
    %lt3A_134 = vector.broadcast %lt3A_133 : i32 to vector<256x8x128xi32>
    %lt3A_135 = arith.cmpi slt, %add3A_50, %lt3A_134 : vector<256x8x128xi32>
    %add3A_136 = arith.constant 128 : i32
    %add3A_137 = vector.broadcast %add3A_136 : i32 to vector<256x8x128xi32>
    %add3A_138 = arith.addi %add3A_50, %add3A_137 : vector<256x8x128xi32>
    %select_n3A_139 = arith.select %lt3A_135, %add3A_138, %add3A_50 : vector<256x8x128xi1>, vector<256x8x128xi32>
    %reshape3A_140 = vector.shape_cast %select_n3A_139 : vector<256x8x128xi32> to vector<256x8x128x1xi32>
    %gather3A_141 = vector.shape_cast %reshape3A_140 : vector<256x8x128x1xi32> to vector<256x8x128xi32>
    %gather3A_142 = tpu.dynamic_gather %broadcast_in_dim3A_132[%gather3A_141] in [2] : vector<256x8x128xi32>, vector<256x8x128xi32> -> vector<256x8x128xi32>
    %broadcast_in_dim3A_143 = arith.constant 0.000000e+00 : f32
    %broadcast_in_dim3A_144 = vector.broadcast %broadcast_in_dim3A_143 : f32 to vector<256x8x128xf32>
    %eq3A_145 = arith.constant 1 : i32
    %eq3A_146 = vector.broadcast %eq3A_145 : i32 to vector<256x8x128xi32>
    %eq3A_147 = arith.cmpi eq, %gather3A_142, %eq3A_146 : vector<256x8x128xi32>
    %broadcast_in_dim3A_148 = vector.shape_cast %get3A_54 : vector<128xf32> to vector<1x1x128xf32>
    %broadcast_in_dim3A_149 = vector.broadcast %broadcast_in_dim3A_148 : vector<1x1x128xf32> to vector<256x8x128xf32>
    %select_n3A_150 = arith.select %eq3A_147, %broadcast_in_dim3A_149, %broadcast_in_dim3A_144 : vector<256x8x128xi1>, vector<256x8x128xf32>
    %eq3A_151 = arith.constant 2 : i32
    %eq3A_152 = vector.broadcast %eq3A_151 : i32 to vector<256x8x128xi32>
    %eq3A_153 = arith.cmpi eq, %gather3A_142, %eq3A_152 : vector<256x8x128xi32>
    %broadcast_in_dim3A_154 = vector.shape_cast %get3A_58 : vector<128xf32> to vector<1x1x128xf32>
    %broadcast_in_dim3A_155 = vector.broadcast %broadcast_in_dim3A_154 : vector<1x1x128xf32> to vector<256x8x128xf32>
    %select_n3A_156 = arith.select %eq3A_153, %broadcast_in_dim3A_155, %select_n3A_150 : vector<256x8x128xi1>, vector<256x8x128xf32>
    %eq3A_157 = arith.constant 3 : i32
    %eq3A_158 = vector.broadcast %eq3A_157 : i32 to vector<256x8x128xi32>
    %eq3A_159 = arith.cmpi eq, %gather3A_142, %eq3A_158 : vector<256x8x128xi32>
    %broadcast_in_dim3A_160 = vector.shape_cast %get3A_62 : vector<128xf32> to vector<1x1x128xf32>
    %broadcast_in_dim3A_161 = vector.broadcast %broadcast_in_dim3A_160 : vector<1x1x128xf32> to vector<256x8x128xf32>
    %select_n3A_162 = arith.select %eq3A_159, %broadcast_in_dim3A_161, %select_n3A_156 : vector<256x8x128xi1>, vector<256x8x128xf32>
    %eq3A_163 = arith.constant 4 : i32
    %eq3A_164 = vector.broadcast %eq3A_163 : i32 to vector<256x8x128xi32>
    %eq3A_165 = arith.cmpi eq, %gather3A_142, %eq3A_164 : vector<256x8x128xi32>
    %broadcast_in_dim3A_166 = vector.shape_cast %get3A_66 : vector<128xf32> to vector<1x1x128xf32>
    %broadcast_in_dim3A_167 = vector.broadcast %broadcast_in_dim3A_166 : vector<1x1x128xf32> to vector<256x8x128xf32>
    %select_n3A_168 = arith.select %eq3A_165, %broadcast_in_dim3A_167, %select_n3A_162 : vector<256x8x128xi1>, vector<256x8x128xf32>
    %eq3A_169 = arith.constant 5 : i32
    %eq3A_170 = vector.broadcast %eq3A_169 : i32 to vector<256x8x128xi32>
    %eq3A_171 = arith.cmpi eq, %gather3A_142, %eq3A_170 : vector<256x8x128xi32>
    %broadcast_in_dim3A_172 = vector.shape_cast %get3A_70 : vector<128xf32> to vector<1x1x128xf32>
    %broadcast_in_dim3A_173 = vector.broadcast %broadcast_in_dim3A_172 : vector<1x1x128xf32> to vector<256x8x128xf32>
    %select_n3A_174 = arith.select %eq3A_171, %broadcast_in_dim3A_173, %select_n3A_168 : vector<256x8x128xi1>, vector<256x8x128xf32>
    %eq3A_175 = arith.constant 6 : i32
    %eq3A_176 = vector.broadcast %eq3A_175 : i32 to vector<256x8x128xi32>
    %eq3A_177 = arith.cmpi eq, %gather3A_142, %eq3A_176 : vector<256x8x128xi32>
    %broadcast_in_dim3A_178 = vector.shape_cast %get3A_74 : vector<128xf32> to vector<1x1x128xf32>
    %broadcast_in_dim3A_179 = vector.broadcast %broadcast_in_dim3A_178 : vector<1x1x128xf32> to vector<256x8x128xf32>
    %select_n3A_180 = arith.select %eq3A_177, %broadcast_in_dim3A_179, %select_n3A_174 : vector<256x8x128xi1>, vector<256x8x128xf32>
    %swap3A_181 = arith.constant 0 : index
    %swap3A_182 = arith.constant 1 : index
    %swap3A_183 = arith.constant 0 : index
    %swap3A_184 = arith.constant 0 : index
    %swap3A_185 = vector.load %arg5[%swap3A_181, %swap3A_182, %swap3A_183, %swap3A_184] : memref<256x4x8x128xf32, #tpu.memory_space<vmem>>, vector<256x1x8x128xf32>
    %swap3A_186 = vector.shape_cast %swap3A_185 : vector<256x1x8x128xf32> to vector<256x8x128xf32>
    %swap3A_187 = vector.shape_cast %select_n3A_180 : vector<256x8x128xf32> to vector<256x1x8x128xf32>
    tpu.vector_store %arg5[%swap3A_181, %swap3A_182, %swap3A_183, %swap3A_184], %swap3A_187 {strides = array<i32>} : memref<256x4x8x128xf32, #tpu.memory_space<vmem>>, vector<256x1x8x128xf32>,
    %slice3A_188 = vector.extract_strided_slice %select_n3A {offsets = [0, 256], sizes = [256, 128], strides = [1, 1]} : vector<256x512xi32> to vector<256x128xi32>
    %broadcast_in_dim3A_189 = vector.shape_cast %slice3A_188 : vector<256x128xi32> to vector<256x1x128xi32>
    %broadcast_in_dim3A_190 = vector.shape_cast %broadcast_in_dim3A_189 : vector<256x1x128xi32> to vector<256x1x128xi32>
    %broadcast_in_dim3A_191 = vector.broadcast %broadcast_in_dim3A_190 : vector<256x1x128xi32> to vector<256x8x128xi32>
    %lt3A_192 = arith.constant 0 : i32
    %lt3A_193 = vector.broadcast %lt3A_192 : i32 to vector<256x8x128xi32>
    %lt3A_194 = arith.cmpi slt, %add3A_50, %lt3A_193 : vector<256x8x128xi32>
    %add3A_195 = arith.constant 128 : i32
    %add3A_196 = vector.broadcast %add3A_195 : i32 to vector<256x8x128xi32>
    %add3A_197 = arith.addi %add3A_50, %add3A_196 : vector<256x8x128xi32>
    %select_n3A_198 = arith.select %lt3A_194, %add3A_197, %add3A_50 : vector<256x8x128xi1>, vector<256x8x128xi32>
    %reshape3A_199 = vector.shape_cast %select_n3A_198 : vector<256x8x128xi32> to vector<256x8x128x1xi32>
    %gather3A_200 = vector.shape_cast %reshape3A_199 : vector<256x8x128x1xi32> to vector<256x8x128xi32>
    %gather3A_201 = tpu.dynamic_gather %broadcast_in_dim3A_191[%gather3A_200] in [2] : vector<256x8x128xi32>, vector<256x8x128xi32> -> vector<256x8x128xi32>
    %broadcast_in_dim3A_202 = arith.constant 0.000000e+00 : f32
    %broadcast_in_dim3A_203 = vector.broadcast %broadcast_in_dim3A_202 : f32 to vector<256x8x128xf32>
    %eq3A_204 = arith.constant 1 : i32
    %eq3A_205 = vector.broadcast %eq3A_204 : i32 to vector<256x8x128xi32>
    %eq3A_206 = arith.cmpi eq, %gather3A_201, %eq3A_205 : vector<256x8x128xi32>
    %broadcast_in_dim3A_207 = vector.shape_cast %get3A_54 : vector<128xf32> to vector<1x1x128xf32>
    %broadcast_in_dim3A_208 = vector.broadcast %broadcast_in_dim3A_207 : vector<1x1x128xf32> to vector<256x8x128xf32>
    %select_n3A_209 = arith.select %eq3A_206, %broadcast_in_dim3A_208, %broadcast_in_dim3A_203 : vector<256x8x128xi1>, vector<256x8x128xf32>
    %eq3A_210 = arith.constant 2 : i32
    %eq3A_211 = vector.broadcast %eq3A_210 : i32 to vector<256x8x128xi32>
    %eq3A_212 = arith.cmpi eq, %gather3A_201, %eq3A_211 : vector<256x8x128xi32>
    %broadcast_in_dim3A_213 = vector.shape_cast %get3A_58 : vector<128xf32> to vector<1x1x128xf32>
    %broadcast_in_dim3A_214 = vector.broadcast %broadcast_in_dim3A_213 : vector<1x1x128xf32> to vector<256x8x128xf32>
    %select_n3A_215 = arith.select %eq3A_212, %broadcast_in_dim3A_214, %select_n3A_209 : vector<256x8x128xi1>, vector<256x8x128xf32>
    %eq3A_216 = arith.constant 3 : i32
    %eq3A_217 = vector.broadcast %eq3A_216 : i32 to vector<256x8x128xi32>
    %eq3A_218 = arith.cmpi eq, %gather3A_201, %eq3A_217 : vector<256x8x128xi32>
    %broadcast_in_dim3A_219 = vector.shape_cast %get3A_62 : vector<128xf32> to vector<1x1x128xf32>
    %broadcast_in_dim3A_220 = vector.broadcast %broadcast_in_dim3A_219 : vector<1x1x128xf32> to vector<256x8x128xf32>
    %select_n3A_221 = arith.select %eq3A_218, %broadcast_in_dim3A_220, %select_n3A_215 : vector<256x8x128xi1>, vector<256x8x128xf32>
    %eq3A_222 = arith.constant 4 : i32
    %eq3A_223 = vector.broadcast %eq3A_222 : i32 to vector<256x8x128xi32>
    %eq3A_224 = arith.cmpi eq, %gather3A_201, %eq3A_223 : vector<256x8x128xi32>
    %broadcast_in_dim3A_225 = vector.shape_cast %get3A_66 : vector<128xf32> to vector<1x1x128xf32>
    %broadcast_in_dim3A_226 = vector.broadcast %broadcast_in_dim3A_225 : vector<1x1x128xf32> to vector<256x8x128xf32>
    %select_n3A_227 = arith.select %eq3A_224, %broadcast_in_dim3A_226, %select_n3A_221 : vector<256x8x128xi1>, vector<256x8x128xf32>
    %eq3A_228 = arith.constant 5 : i32
    %eq3A_229 = vector.broadcast %eq3A_228 : i32 to vector<256x8x128xi32>
    %eq3A_230 = arith.cmpi eq, %gather3A_201, %eq3A_229 : vector<256x8x128xi32>
    %broadcast_in_dim3A_231 = vector.shape_cast %get3A_70 : vector<128xf32> to vector<1x1x128xf32>
    %broadcast_in_dim3A_232 = vector.broadcast %broadcast_in_dim3A_231 : vector<1x1x128xf32> to vector<256x8x128xf32>
    %select_n3A_233 = arith.select %eq3A_230, %broadcast_in_dim3A_232, %select_n3A_227 : vector<256x8x128xi1>, vector<256x8x128xf32>
    %eq3A_234 = arith.constant 6 : i32
    %eq3A_235 = vector.broadcast %eq3A_234 : i32 to vector<256x8x128xi32>
    %eq3A_236 = arith.cmpi eq, %gather3A_201, %eq3A_235 : vector<256x8x128xi32>
    %broadcast_in_dim3A_237 = vector.shape_cast %get3A_74 : vector<128xf32> to vector<1x1x128xf32>
    %broadcast_in_dim3A_238 = vector.broadcast %broadcast_in_dim3A_237 : vector<1x1x128xf32> to vector<256x8x128xf32>
    %select_n3A_239 = arith.select %eq3A_236, %broadcast_in_dim3A_238, %select_n3A_233 : vector<256x8x128xi1>, vector<256x8x128xf32>
    %swap3A_240 = arith.constant 0 : index
    %swap3A_241 = arith.constant 2 : index
    %swap3A_242 = arith.constant 0 : index
    %swap3A_243 = arith.constant 0 : index
    %swap3A_244 = vector.load %arg5[%swap3A_240, %swap3A_241, %swap3A_242, %swap3A_243] : memref<256x4x8x128xf32, #tpu.memory_space<vmem>>, vector<256x1x8x128xf32>
    %swap3A_245 = vector.shape_cast %swap3A_244 : vector<256x1x8x128xf32> to vector<256x8x128xf32>
    %swap3A_246 = vector.shape_cast %select_n3A_239 : vector<256x8x128xf32> to vector<256x1x8x128xf32>
    tpu.vector_store %arg5[%swap3A_240, %swap3A_241, %swap3A_242, %swap3A_243], %swap3A_246 {strides = array<i32>} : memref<256x4x8x128xf32, #tpu.memory_space<vmem>>, vector<256x1x8x128xf32>,
    %slice3A_247 = vector.extract_strided_slice %select_n3A {offsets = [0, 384], sizes = [256, 128], strides = [1, 1]} : vector<256x512xi32> to vector<256x128xi32>
    %broadcast_in_dim3A_248 = vector.shape_cast %slice3A_247 : vector<256x128xi32> to vector<256x1x128xi32>
    %broadcast_in_dim3A_249 = vector.shape_cast %broadcast_in_dim3A_248 : vector<256x1x128xi32> to vector<256x1x128xi32>
    %broadcast_in_dim3A_250 = vector.broadcast %broadcast_in_dim3A_249 : vector<256x1x128xi32> to vector<256x8x128xi32>
    %lt3A_251 = arith.constant 0 : i32
    %lt3A_252 = vector.broadcast %lt3A_251 : i32 to vector<256x8x128xi32>
    %lt3A_253 = arith.cmpi slt, %add3A_50, %lt3A_252 : vector<256x8x128xi32>
    %add3A_254 = arith.constant 128 : i32
    %add3A_255 = vector.broadcast %add3A_254 : i32 to vector<256x8x128xi32>
    %add3A_256 = arith.addi %add3A_50, %add3A_255 : vector<256x8x128xi32>
    %select_n3A_257 = arith.select %lt3A_253, %add3A_256, %add3A_50 : vector<256x8x128xi1>, vector<256x8x128xi32>
    %reshape3A_258 = vector.shape_cast %select_n3A_257 : vector<256x8x128xi32> to vector<256x8x128x1xi32>
    %gather3A_259 = vector.shape_cast %reshape3A_258 : vector<256x8x128x1xi32> to vector<256x8x128xi32>
    %gather3A_260 = tpu.dynamic_gather %broadcast_in_dim3A_250[%gather3A_259] in [2] : vector<256x8x128xi32>, vector<256x8x128xi32> -> vector<256x8x128xi32>
    %broadcast_in_dim3A_261 = arith.constant 0.000000e+00 : f32
    %broadcast_in_dim3A_262 = vector.broadcast %broadcast_in_dim3A_261 : f32 to vector<256x8x128xf32>
    %eq3A_263 = arith.constant 1 : i32
    %eq3A_264 = vector.broadcast %eq3A_263 : i32 to vector<256x8x128xi32>
    %eq3A_265 = arith.cmpi eq, %gather3A_260, %eq3A_264 : vector<256x8x128xi32>
    %broadcast_in_dim3A_266 = vector.shape_cast %get3A_54 : vector<128xf32> to vector<1x1x128xf32>
    %broadcast_in_dim3A_267 = vector.broadcast %broadcast_in_dim3A_266 : vector<1x1x128xf32> to vector<256x8x128xf32>
    %select_n3A_268 = arith.select %eq3A_265, %broadcast_in_dim3A_267, %broadcast_in_dim3A_262 : vector<256x8x128xi1>, vector<256x8x128xf32>
    %eq3A_269 = arith.constant 2 : i32
    %eq3A_270 = vector.broadcast %eq3A_269 : i32 to vector<256x8x128xi32>
    %eq3A_271 = arith.cmpi eq, %gather3A_260, %eq3A_270 : vector<256x8x128xi32>
    %broadcast_in_dim3A_272 = vector.shape_cast %get3A_58 : vector<128xf32> to vector<1x1x128xf32>
    %broadcast_in_dim3A_273 = vector.broadcast %broadcast_in_dim3A_272 : vector<1x1x128xf32> to vector<256x8x128xf32>
    %select_n3A_274 = arith.select %eq3A_271, %broadcast_in_dim3A_273, %select_n3A_268 : vector<256x8x128xi1>, vector<256x8x128xf32>
    %eq3A_275 = arith.constant 3 : i32
    %eq3A_276 = vector.broadcast %eq3A_275 : i32 to vector<256x8x128xi32>
    %eq3A_277 = arith.cmpi eq, %gather3A_260, %eq3A_276 : vector<256x8x128xi32>
    %broadcast_in_dim3A_278 = vector.shape_cast %get3A_62 : vector<128xf32> to vector<1x1x128xf32>
    %broadcast_in_dim3A_279 = vector.broadcast %broadcast_in_dim3A_278 : vector<1x1x128xf32> to vector<256x8x128xf32>
    %select_n3A_280 = arith.select %eq3A_277, %broadcast_in_dim3A_279, %select_n3A_274 : vector<256x8x128xi1>, vector<256x8x128xf32>
    %eq3A_281 = arith.constant 4 : i32
    %eq3A_282 = vector.broadcast %eq3A_281 : i32 to vector<256x8x128xi32>
    %eq3A_283 = arith.cmpi eq, %gather3A_260, %eq3A_282 : vector<256x8x128xi32>
    %broadcast_in_dim3A_284 = vector.shape_cast %get3A_66 : vector<128xf32> to vector<1x1x128xf32>
    %broadcast_in_dim3A_285 = vector.broadcast %broadcast_in_dim3A_284 : vector<1x1x128xf32> to vector<256x8x128xf32>
    %select_n3A_286 = arith.select %eq3A_283, %broadcast_in_dim3A_285, %select_n3A_280 : vector<256x8x128xi1>, vector<256x8x128xf32>
    %eq3A_287 = arith.constant 5 : i32
    %eq3A_288 = vector.broadcast %eq3A_287 : i32 to vector<256x8x128xi32>
    %eq3A_289 = arith.cmpi eq, %gather3A_260, %eq3A_288 : vector<256x8x128xi32>
    %broadcast_in_dim3A_290 = vector.shape_cast %get3A_70 : vector<128xf32> to vector<1x1x128xf32>
    %broadcast_in_dim3A_291 = vector.broadcast %broadcast_in_dim3A_290 : vector<1x1x128xf32> to vector<256x8x128xf32>
    %select_n3A_292 = arith.select %eq3A_289, %broadcast_in_dim3A_291, %select_n3A_286 : vector<256x8x128xi1>, vector<256x8x128xf32>
    %eq3A_293 = arith.constant 6 : i32
    %eq3A_294 = vector.broadcast %eq3A_293 : i32 to vector<256x8x128xi32>
    %eq3A_295 = arith.cmpi eq, %gather3A_260, %eq3A_294 : vector<256x8x128xi32>
    %broadcast_in_dim3A_296 = vector.shape_cast %get3A_74 : vector<128xf32> to vector<1x1x128xf32>
    %broadcast_in_dim3A_297 = vector.broadcast %broadcast_in_dim3A_296 : vector<1x1x128xf32> to vector<256x8x128xf32>
    %select_n3A_298 = arith.select %eq3A_295, %broadcast_in_dim3A_297, %select_n3A_292 : vector<256x8x128xi1>, vector<256x8x128xf32>
    %swap3A_299 = arith.constant 0 : index
    %swap3A_300 = arith.constant 3 : index
    %swap3A_301 = arith.constant 0 : index
    %swap3A_302 = arith.constant 0 : index
    %swap3A_303 = vector.load %arg5[%swap3A_299, %swap3A_300, %swap3A_301, %swap3A_302] : memref<256x4x8x128xf32, #tpu.memory_space<vmem>>, vector<256x1x8x128xf32>
    %swap3A_304 = vector.shape_cast %swap3A_303 : vector<256x1x8x128xf32> to vector<256x8x128xf32>
    %swap3A_305 = vector.shape_cast %select_n3A_298 : vector<256x8x128xf32> to vector<256x1x8x128xf32>
    tpu.vector_store %arg5[%swap3A_299, %swap3A_300, %swap3A_301, %swap3A_302], %swap3A_305 {strides = array<i32>} : memref<256x4x8x128xf32, #tpu.memory_space<vmem>>, vector<256x1x8x128xf32>,
    return
  }
  func.func @transform_0(%arg0: i32, %arg1: i32, %arg2: memref<16xi32, #tpu.memory_space<smem>>) -> (i32, i32, i32) {
    %c0_i32 = arith.constant 0 : i32
    %c0_i32_0 = arith.constant 0 : i32
    return %arg0, %arg1, %c0_i32 : i32, i32, i32
  }
  func.func @transform_1(%arg0: i32, %arg1: i32, %arg2: memref<16xi32, #tpu.memory_space<smem>>) -> (i32, i32) {
    %c0_i32 = arith.constant 0 : i32
    %c0_i32_0 = arith.constant 0 : i32
    %c0_i32_1 = arith.constant 0 : i32
    return %c0_i32, %c0_i32_0 : i32, i32
  }
  func.func @transform_2(%arg0: i32, %arg1: i32, %arg2: memref<16xi32, #tpu.memory_space<smem>>) -> (i32, i32, i32, i32) {
    %mul3A = arith.constant 2 : i32
    %mul3A_0 = arith.muli %arg0, %mul3A : i32
    %add3A = arith.addi %mul3A_0, %arg1 : i32
    %c0_i32 = arith.constant 0 : i32
    %c0_i32_1 = arith.constant 0 : i32
    %c0_i32_2 = arith.constant 0 : i32
    %c0_i32_3 = arith.constant 0 : i32
    return %add3A, %c0_i32, %c0_i32_1, %c0_i32_2 : i32, i32, i32, i32
  }
}

</mosaic_0001>

<sc_bundles>
// kernel: sparse-core-data-format-call.1.cloned.1.call-start
scs
called_computation.1_lowered:
.L_overlay_start_0:
0x0: {  	s1 =	sld [smem:$0x3FD9]  }
0x1: {  	s2 =	sld [smem:$0x3FFE];
	_ =	sdelay $0x1  }
0x2: {  	s3 =	srdreg.scid  }
0x3: {  	s0 =	sand.u32 $0x1, s3  }
0x4: {  	s17 =	sshll.u32 s0, $0xA;
	s1 =	sadd.s32 s2, s1  }
0x5: {  	s1 =	sadd.s32 s1, s17  }
0x6: {  	[smem:$0x3FC5] =	sst s1  }
0x7: {  	_ = 	snop  }
0x8: {  	(tm) =	ssettm $0x1  }
0x9: {  	s18 =	sld [smem:$0x3FFB];
	_ =	sdelay $0x3  }
0xa: {  	_ =	strace s18  }
0xb: {  	s1 =	sld [smem:$0x3FFC];
	_ =	sdelay $0x3  }
0xc: {  	_ =	strace s1  }
0xd: {  	s1 =	sld [smem:$0x3FFD];
	_ =	sdelay $0x3  }
0xe: {  	_ =	strace s1  }
0xf: {  	_ =	strace $0x8FFFFFFF  }
0x10: {  	s19 =	sld [smem:$0x3FDB];
	_ =	sdelay $0x1  }
0x11: {  	s20 =	simm.s32 $_scs_section_size  }
0x12: {  	s4 =	simm.s32 $_size__tile_overlayer_lowered;
	s5 =	simm.s32 $_tile_overlayer_lowered  }
0x13: {  	s23 =	simm.s32 $0x1BFF;
	s22 =	sshll.u32 s5, $0x1;
	s1 =	sadd.s32 s20, s19  }
0x14: {  	s6 =	simm.s32 $0x0;
	s21 =	sshll.u32 s4, $0x1;
	s4 =	sadd.s32 s22, s1  }
0x15: {  	[timem:s6], [sflag:s23] =	dma.local [hbm:s4], s21  }
0x16: {  	_ =	swait.ge [sflag:s23], s21  }
0x17: {  	s2 =	ssub.s32 $0x0, s21;
	[sflag:s23] =	ssyncset.done $0x0  }
0x18: {  	[sflag:s23] =	ssyncadd.s32 s2;
	_ =	sdelay $0x1  }
0x19: {  	s24 =	simm.s32 $0x1B8B  }
0x1a: {  	_ =	swait.ge [sflag:s24], $0x1  }
0x1b: {  	[sflag:s24] =	ssyncset.done $0x0  }
0x1c: {  	s26 =	simm.s32 $0x1B8E;
	s25 =	sld [smem:$0x3FFE];
	[sflag:s24] =	ssyncadd.s32 $0xFFFFFFFF  }
0x1d: {  	s27 =	simm.s32 $execute0_lowered;
	[smem:$0x3FD2] =	sst s26  }
0x1e: {  	s4 =	sshll.u32 s27, $0x1;
	_ =	strace $0x80000046;
	[dreg:$0x1] =	wrdreg $0xFFFFFFFF  }
0x1f: {  	s28 =	simm.s32 $_size_execute0_lowered;
	s1 =	sadd.s32 s1, s4;
	[dreg:$0x0] =	wrdreg $0x0  }
0x20: {  	s4 =	sshll.u32 s28, $0x1;
	[dreg:$0x2] =	wrdreg s1  }
0x21: {  	[dreg:$0x3] =	wrdreg s4  }
0x22: {  	[dreg:$0x4] =	wrdreg $0xC0  }
0x23: {  	_ =	task [dreg:s6], $0x5FFFF  }
0x24: {  	[dreg:$0x1] =	wrdreg $0xFFFFFFFF  }
0x25: {  	[dreg:$0x0] =	wrdreg $0x60  }
0x26: {  	[dreg:$0x2] =	wrdreg s25  }
0x27: {  	[dreg:$0x3] =	wrdreg $0x9  }
0x28: {  	_ =	task.clear_ibuf [dreg:s6], $0x4FFFF;
	_ =	strace $0x90000046  }
0x29: {  	s29 =	simm.s32 $0x9;
	_ =	strace $0x80000048  }
0x2a: {  	_ =	swait.ge [sflag:s29], $0x1  }
0x2b: {  	[sflag:s29] =	ssyncadd.s32 $0xFFFFFFFF  }
0x2c: {  	_ =	strace $0x90000048  }
0x2d: {  	_ =	sfence  }
0x2e: {  	s30 =	sld [smem:$0x0];
	_ =	sdelay $0x2  }
0x2f: {  	s31 =	sshll.u32 s3, $0xD;
	s3 =	sshrl.u32 s3, $0x2  }
0x30: {  	s2 =	sand.u32 $0x4000, s31;
	s1 =	sadd.s32 s3, s30  }
0x31: {  	s0 =	sor.u32 s2, s0;
	s1 =	sshll.u32 s1, $0x11  }
0x32: {  	s0 =	sor.u32 s1, s0  }
0x33: {  	s0 =	sadd.s32 $0x8F2B, s0  }
0x34: {  	[sflag:s0] =	ssyncadd.remote.s32 $0x1  }
0x35: {  	_ =	sfence.sel $0xFFFF  }
0x36: {  	[dreg:$0x0] =	wrdreg $0xFFFFFFFF;
	(pc) =	sbr.abs _section_cstart, $3  }
0x37: {  	[dreg:$0x1] =	wrdreg $0xFFFFFFFF  }
0x38: {  	_ =	task.clear_ibuf [dreg:s6], $0x2FFFF;
	_ =	strace $0x9FFFFFFF  }
0x39: {  	(tm) =	ssettm $0x7FFFFFFF  }
tec
execute0_lowered:
.L_overlay_start_1:
0x0: {  	(tag) =	ssettag $0x1  }
0x1: {  	s1 =	rddreg [dreg:$0x0]  }
0x2: {  	s0 =	rddreg [dreg:$0x1]  }
0x3: {  	_ =	strace $0x80000047;
	s4 =	srdreg.scid;
	s6 =	simm.s32 $0x2  }
0x4: {  	s12 =	simm.s32 $0x0;
	p0 =	por $0x0, $0x0;
	s13 =	simm.s32 $0x0  }
0x5: {  	s15 =	simm.s32 $0x0;
	s14 =	simm.s32 $0x0;
	s8 =	simm.s32 $0x0  }
.Ltmp0:
0x6: {  	s9 =	simm.s32 $0x0;
	s10 =	simm.s32 $0x0;
	(pc) =	sbr.rel .LBB1_1-.Ltmp0, $4  }
0x7: {  	s2 =	sadd.s32 $0xC00, s1;
	s3 =	sadd.s32 $0x400C00, s1;
	s5 =	sshll.u32 s4, $0x4  }
0x8: {  	s1 =	stileid.u32;
	s4 =	simm.s32 $0x1;
	s5 =	sand.u32 $0x10, s5  }
0x9: {  	s7 =	simm.s32 $0x0;
	[sflag:s4] =	ssyncpa.u1 $0x0;
	s5 =	sor.u32 s1, s5  }
0xa: {  	[sflag:s6] =	ssyncpa.u1 $0x0;
	s6 =	simm.s32 $0x2000;
	s11 =	smov.u32 s5  }
.LBB1_7:
0xb: {  	s16 =	sadd.s32 $0x100, s8  }
0xc: {  	s12 =	sadd.s32 $0x8, s9;
	s17 =	smov.u32 s9;
	p2 =	sgt.s32 s16, $0x1FF  }
0xd: {  	s17 =	smov.u32 @p2 s12  }
0xe: {  	s18 =	smov.u32 s10;
	s12 =	sadd.s32 $0x8, s10;
	p3 =	sgt.s32 s17, $0x7  }
0xf: {  	s18 =	smov.u32 @p3 s12  }
0x10: {  	s19 =	smov.u32 s11;
	s12 =	sadd.s32 $0x20, s11;
	p4 =	sgt.s32 s18, $0xF  }
0x11: {  	p1 =	slt.u32 s7, $0x2;
	s19 =	smov.u32 @p4 s12  }
0x12: {  	s7 =	sadd.s32 $0x1, s7;
	s16 =	simm.s32 @p2 $0x0;
	p2 =	sgt.s32 s19, $0x1FF  }
0x13: {  	s20 =	simm.s32 @!p1 $0x2;
	s19 =	smov.u32 @p2 s5;
	p2 =	sne.s32 s7, $0x42  }
.Ltmp1:
0x14: {  	s13 =	smov.u32 s9;
	_ =	swait.ge @!p1 [sflag:s20], $0x4000;
	(pc) =	sbr.rel @!p2 .LBB1_8-.Ltmp1, $4  }
0x15: {  	s15 =	smov.u32 s10;
	s14 =	smov.u32 s11;
	[sflag:s20] =	ssyncset.done @!p1 $0x0  }
0x16: {  	p0 =	por !p0, !p0;
	s17 =	simm.s32 @p3 $0x0;
	[sflag:s20] =	ssyncadd.s32 @!p1 $0xFFFFC000  }
0x17: {  	s9 =	smov.u32 s17;
	s18 =	simm.s32 @p4 $0x0;
	s12 =	smov.u32 s8  }
0x18: {  	s8 =	smov.u32 s16;
	s10 =	smov.u32 s18;
	s11 =	smov.u32 s19  }
.LBB1_1:
0x19: {  	p1 =	sgt.u32 s7, $0x3F  }
0x1a: {  	s16 =	sxor.u32 @!p1 $0xFFFFFFFF, s7;
	s17 =	sshll.u32 @!p1 s8, $0x3  }
0x1b: {  	s18 =	sshll.u32 @!p1 s9, $0x7;
	s19 =	sand.u32 @!p1 $0x78, s8;
	s20 =	sshll.u32 @!p1 s11, $0xD  }
0x1c: {  	s21 =	sshll.u32 @!p1 s10, $0x9;
	s16 =	sshll.u32 @!p1 s16, $0xE;
	s18 =	sand.u32 @!p1 $0x380, s18  }
0x1d: {  	s17 =	sand.u32 @!p1 $0xC00, s17;
	s16 =	sand.u32 @!p1 $0x4000, s16;
	s18 =	sor.u32 @!p1 s19, s18  }
0x1e: {  	s19 =	sand.u32 @!p1 $0x7, s8;
	s17 =	sor.u32 @!p1 s17, s18;
	s18 =	sadd.s32 @!p1 s2, s20  }
0x1f: {  	s19 =	sshll.u32 @!p1 s19, $0x12;
	s17 =	sshrl.u32 @!p1 s17, $0x3;
	s18 =	sadd.s32 @!p1 s21, s18  }
0x20: {  	s17 =	sadd.s32 @!p1 s17, s18;
	s18 =	sor.u32 @!p1 $0x800, s19;
	s19 =	simm.s32 @!p1 $0x1000  }
0x21: {  	[tilespmem:s16], [sflag:$0x1] =	stream.strided.gather @!p1 [hbm4b:s17+s18], $0x4000, s19, s18, $0x38;
	[tilespmem:$0x10000] =	vst v63  }
0x22: {  	p1 =	seq.s32 s7, $0x0  }
0x23: {  	p2 =	seq.s32 @!p1 s7, $0x41  }
0x24: {  	p1 =	por p1, p2  }
.Ltmp2:
0x25: {  	_ = 	snop;
	(pc) =	sbr.rel @p1 .LBB1_7-.Ltmp2, $1  }
0x26: {  	_ =	sdelay $0x3  }
0x27: {  	s16 =	simm.s32 $0x1;
	_ =	swait.ge [sflag:s4], $0x4000  }
0x28: {  	s31 =	sshll.u32 s7, $0xE;
	s21 =	simm.s32 $0x0;
	p1 =	por $0x0, $0x0  }
0x29: {  	s22 =	simm.s32 $0x0;
	s23 =	simm.s32 $0x0;
	s16 =	simm.s32 @!p0 $0x0  }
0x2a: {  	[sflag:s4] =	ssyncset.done $0x0;
	s19 =	sand.u32 $0x4000, s31;
	s16 =	sshll.u32 s16, $0x10  }
0x2b: {  	[sflag:s4] =	ssyncadd.s32 $0xFFFFC000;
	s20 =	sshrl.u32 s16, $0x2;
	s16 =	sor.u32 $0x8000, s19  }
0x2c: {  	s17 =	sor.u32 $0x40, s20;
	s18 =	sor.u32 $0x8410, s20;
	s20 =	sadd.s32 $0x8400, s20  }
.LBB1_3:
0x2d: {  	v1 =	vld [tilespmem:s17+$0xFFFFFFD0]  }
0x2e: {  	v2 =	vld [tilespmem:s17+$0x430]  }
0x2f: {  	s24 =	sshll.u32 s23, $0xB;
	v4 =	vld [tilespmem:s17+$0xFFFFFFE0]  }
0x30: {  	v7 =	vld [tilespmem:s17+$0xFFFFFFF0];
	v0 =	vmov s24  }
0x31: {  	v8 =	vld [tilespmem:s17+$0x0]  }
0x32: {  	s30 =	sand.u32 $0x300, s21;
	v9 =	vld [tilespmem:s17+$0x10]  }
0x33: {  	s25 =	sand.u32 $0x80, s21;
	v10 =	vld [tilespmem:s17+$0x20];
	s24 =	sadd.s32 s30, s19  }
0x34: {  	v11 =	vld [tilespmem:s17+$0x30];
	s24 =	sadd.s32 s25, s24;
	s25 =	simm.s32 $0x1;
	[tilespmem:s18+$0x60] =	vst v2  }
0x35: {  	s31 =	sshll.u32 s22, $0x2;
	s25 =	simm.s32 @!p1 $0x0;
	[tilespmem:s18+$0xFFFFFC00] =	vst v1;
	v3 =	vld.idx.msk [tilespmem:v0+s24+$0x400 ss:$0x1], $0xffff  }
0x36: {  	v6 =	vld [tilespmem:s17+$0x3D0];
	s25 =	sshll.u32 s25, $0x9;
	[tilespmem:s18+$0xFFFFFC10] =	vst v4;
	s24 =	sand.u32 $0xFFFFFC00, s31  }
0x37: {  	v5 =	vld [tilespmem:s17+$0x3E0];
	[tilespmem:s18+$0xFFFFFC20] =	vst v7;
	s24 =	sor.u32 s25, s24  }
0x38: {  	[tilespmem:s18+$0xFFFFFC30] =	vst v8;
	v4 =	vld [tilespmem:s17+$0x400];
	s24 =	sshrl.u32 s24, $0x2  }
0x39: {  	[tilespmem:s18+$0xFFFFFC40] =	vst v9;
	v1 =	vld [tilespmem:s17+$0x410];
	s24 =	sadd.s32 s24, s20  }
0x3a: {  	[tilespmem:s24+$0x0] =	vst v3;
	v3 =	vld [tilespmem:s17+$0x3F0]  }
0x3b: {  	s28 =	simm.s32 $0x80;
	s27 =	simm.s32 $0x100;
	[tilespmem:s18+$0xFFFFFC50] =	vst v10;
	v2 =	vld [tilespmem:s17+$0x420]  }
0x3c: {  	s26 =	smov.u32 s18;
	s29 =	sand.u32 $0x300, s28;
	v7 =	vld [tilespmem:s17+$0xFFFFFFC0];
	[tilespmem:s18+$0xFFFFFC60] =	vst v11;
	s25 =	sadd.s32 $0x80, s17  }
.LBB1_4:
0x3d: {  	p2 =	sne.s32 s27, $0x380;
	v8 =	vld [tilespmem:s25+$0xFFFFFFD0];
	s28 =	sand.u32 $0x80, s28;
	s29 =	sadd.s32 s29, s19;
	[tilespmem:s26+$0x0] =	vst v6  }
0x3e: {  	s29 =	sadd.s32 s28, s29;
	v6 =	vld [tilespmem:s25+$0x430];
	[tilespmem:s26+$0x10] =	vst v5;
	s28 =	smov.u32 s27  }
0x3f: {  	v5 =	vld.idx.msk [tilespmem:v0+s29+$0x400 ss:$0x1], $0xffff;
	[tilespmem:s26+$0x20] =	vst v3  }
0x40: {  	v3 =	vld [tilespmem:s25+$0xFFFFFFE0];
	[tilespmem:s26+$0x30] =	vst v4  }
0x41: {  	v4 =	vld [tilespmem:s25+$0xFFFFFFF0];
	[tilespmem:s26+$0xFFFFFBF0] =	vst v7  }
0x42: {  	v7 =	vld [tilespmem:s25+$0x0];
	[tilespmem:s26+$0x40] =	vst v1  }
0x43: {  	v1 =	vld [tilespmem:s25+$0x10];
	[tilespmem:s26+$0x50] =	vst v2;
	s26 =	sadd.s32 $0x800, s26  }
0x44: {  	s24 =	sadd.s32 $0x800, s24;
	v2 =	vld [tilespmem:s25+$0x20];
	[tilespmem:s26+$0x60] =	vst v6  }
0x45: {  	v9 =	vld [tilespmem:s25+$0x30];
	[tilespmem:s24+$0x0] =	vst v5  }
0x46: {  	[tilespmem:s26+$0xFFFFFC00] =	vst v8;
	v6 =	vld [tilespmem:s25+$0x3D0]  }
0x47: {  	[tilespmem:s26+$0xFFFFFC10] =	vst v3;
	v5 =	vld [tilespmem:s25+$0x3E0]  }
.Ltmp3:
0x48: {  	[tilespmem:s26+$0xFFFFFC20] =	vst v4;
	v3 =	vld [tilespmem:s25+$0x3F0];
	(pc) =	sbr.rel @p2 .LBB1_4-.Ltmp3, $4  }
0x49: {  	[tilespmem:s26+$0xFFFFFC30] =	vst v7;
	v4 =	vld [tilespmem:s25+$0x400]  }
0x4a: {  	[tilespmem:s26+$0xFFFFFC40] =	vst v1;
	v1 =	vld [tilespmem:s25+$0x410]  }
0x4b: {  	[tilespmem:s26+$0xFFFFFC50] =	vst v2;
	v2 =	vld [tilespmem:s25+$0x420]  }
0x4c: {  	s27 =	sadd.s32 $0x80, s27;
	s29 =	sand.u32 $0x300, s28;
	v7 =	vld [tilespmem:s25+$0xFFFFFFC0];
	[tilespmem:s26+$0xFFFFFC60] =	vst v9;
	s25 =	sadd.s32 $0x80, s25  }
0x4d: {  	[tilespmem:s26+$0x0] =	vst v6  }
0x4e: {  	[tilespmem:s26+$0x10] =	vst v5  }
0x4f: {  	v49 =	vld [tilespmem:s25+$0x430];
	[tilespmem:s26+$0x20] =	vst v3  }
0x50: {  	v50 =	vld [tilespmem:s25+$0xFFFFFFD0];
	[tilespmem:s26+$0x30] =	vst v4  }
0x51: {  	v51 =	vld [tilespmem:s25+$0xFFFFFFE0];
	[tilespmem:s26+$0x40] =	vst v1  }
0x52: {  	v52 =	vld [tilespmem:s25+$0xFFFFFFF0];
	[tilespmem:s26+$0x50] =	vst v2  }
0x53: {  	s31 =	sadd.s32 $0x800, s26;
	v53 =	vld [tilespmem:s25+$0x0];
	[tilespmem:s26+$0xFFFFFBF0] =	vst v7  }
0x54: {  	v54 =	vld [tilespmem:s25+$0x10];
	[tilespmem:s31+$0x60] =	vst v49  }
0x55: {  	v55 =	vld [tilespmem:s25+$0x20];
	[tilespmem:s31+$0xFFFFFC00] =	vst v50  }
0x56: {  	v56 =	vld [tilespmem:s25+$0x30];
	[tilespmem:s31+$0xFFFFFC10] =	vst v51  }
0x57: {  	v57 =	vld [tilespmem:s25+$0x3D0];
	[tilespmem:s31+$0xFFFFFC20] =	vst v52  }
0x58: {  	v58 =	vld [tilespmem:s25+$0x3E0];
	[tilespmem:s31+$0xFFFFFC30] =	vst v53  }
0x59: {  	v59 =	vld [tilespmem:s25+$0x3F0];
	[tilespmem:s31+$0xFFFFFC40] =	vst v54  }
0x5a: {  	v60 =	vld [tilespmem:s25+$0x400];
	[tilespmem:s31+$0xFFFFFC50] =	vst v55  }
0x5b: {  	v61 =	vld [tilespmem:s25+$0xFFFFFFC0];
	[tilespmem:s31+$0xFFFFFC60] =	vst v56  }
0x5c: {  	s27 =	sand.u32 $0x80, s28;
	s30 =	sadd.s32 s29, s19;
	v62 =	vld [tilespmem:s25+$0x410];
	[tilespmem:s31+$0x0] =	vst v57  }
0x5d: {  	v63 =	vld [tilespmem:s25+$0x420];
	s23 =	sadd.s32 $0x1, s23;
	s27 =	sadd.s32 s27, s30;
	[tilespmem:s31+$0x10] =	vst v58  }
0x5e: {  	p2 =	sne.s32 s23, $0x8;
	v0 =	vld.idx.msk [tilespmem:v0+s27+$0x400 ss:$0x1], $0xffff;
	[tilespmem:s31+$0x20] =	vst v59  }
.Ltmp4:
0x5f: {  	[tilespmem:s31+$0x30] =	vst v60;
	(pc) =	sbr.rel @p2 .LBB1_3-.Ltmp4, $4  }
0x60: {  	[tilespmem:s31+$0xFFFFFBF0] =	vst v61  }
0x61: {  	[tilespmem:s31+$0x40] =	vst v62  }
0x62: {  	s24 =	sadd.s32 $0x800, s24;
	s17 =	sadd.s32 $0x800, s17;
	[tilespmem:s31+$0x50] =	vst v63  }
0x63: {  	s22 =	sadd.s32 $0x80, s22;
	p1 =	por !p1, !p1;
	s18 =	sadd.s32 $0x80, s18;
	[tilespmem:s24+$0x0] =	vst v0  }
0x64: {  	s17 =	sand.u32 $0x78, s12  }
0x65: {  	s18 =	sshll.u32 s15, $0x9;
	s19 =	sshll.u32 s12, $0x3;
	s27 =	sshll.u32 s15, $0x7  }
0x66: {  	s14 =	sshll.u32 s14, $0xD;
	s13 =	sshll.u32 s13, $0xA;
	s30 =	sand.u32 $0x7, s12  }
0x67: {  	s18 =	sand.u32 $0x1000, s18;
	s19 =	sand.u32 $0x1C00, s19;
	s28 =	sand.u32 $0x200, s27  }
0x68: {  	s15 =	sand.u32 $0x180, s27;
	s14 =	sadd.s32 s3, s14;
	s18 =	sadd.s32 s18, s19  }
.Ltmp5:
0x69: {  	s15 =	sor.u32 s15, s17;
	s18 =	sor.u32 s28, s18;
	(pc) =	sbr.rel .LBB1_7-.Ltmp5, $4  }
0x6a: {  	s13 =	sadd.s32 s13, s14;
	s15 =	sshrl.u32 s15, $0x3;
	s29 =	sshrl.u32 s18, $0x3  }
0x6b: {  	s12 =	sshll.u32 s30, $0x12;
	s13 =	sadd.s32 s15, s13;
	s31 =	sand.u32 $0x3C0, s29  }
0x6c: {  	s12 =	sor.u32 $0x800, s12;
	s13 =	sadd.s32 s31, s13  }
0x6d: {  	[hbm4b:s13+s12] =	stream.strided.scatter [tilespmem:s16], [sflag:$0x2], $0x4000, s6, s12, $0x38;
	[tilespmem:$0x10000] =	vst v63  }
.LBB1_8:
0x6e: {  	_ =	sfence.sel $0x180000  }
0x6f: {  	s2 =	simm.s32 $0x1;
	[bflag:$0x0] =	sbarrier.arrive $0xFFFF  }
0x70: {  	s31 =	simm.s32 $0x2;
	[sflag:s2] =	ssyncpa.u1 $0x1  }
0x71: {  	[sflag:s31] =	ssyncpa.u1 $0x1  }
0x72: {  	p0 =	sne.s32 s1, $0x0;
	_ =	strace $0x90000047  }
0x73: {  	s0 =	sadd.s32 @!p0 $0x100000, s0;
	[bflag:$0x2] =	sbarrier.arrive $0xFFFF  }
0x74: {  	[sflag:s0] =	ssyncadd.tile.s32 @!p0 $0x1;
	_ =	shalt  }
.Lfunc_end1:
_tile_overlayer_lowered:
.L_overlay_start_2:
0x75: {  	(tag) =	ssettag $0x2  }
0x76: {  	s0 =	rddreg [dreg:$0x0];
	s2 =	stileid.u32  }
0x77: {  	s1 =	rddreg [dreg:$0x1];
	p0 =	sne.s32 s2, $0x0  }
0x78: {  	s3 =	rddreg [dreg:$0x2];
	[bflag:$0x3] =	sbarrier.arrive $0xFFFF;
	s2 =	simm.s32 @!p0 $0x1C01  }
0x79: {  	[timem:s3], [sflag:s2] =	dma.local @!p0 [hbm:s0], s1  }
0x7a: {  	s0 =	simm.s32 @!p0 $0x1  }
0x7b: {  	_ =	swait.ge @!p0 [sflag:s0], s1  }
0x7c: {  	s1 =	ssub.s32 @!p0 $0x0, s1;
	[sflag:s0] =	ssyncset.done @!p0 $0x0  }
0x7d: {  	[sflag:s0] =	ssyncadd.s32 @!p0 s1  }
0x7e: {  	[bflag:$0x3] =	sbarrier.arrive $0xFFFF  }
0x7f: {  	_ =	shalt  }

// kernel: sparse-core-data-format-call.cloned.1.call-start
scs
called_computation_lowered:
.L_overlay_start_0:
0x0: {  	s2 =	sld [smem:$0x3FD9]  }
0x1: {  	s3 =	sld [smem:$0x3FFE];
	_ =	sdelay $0x1  }
0x2: {  	s1 =	srdreg.scid  }
0x3: {  	s0 =	sand.u32 $0x1, s1  }
0x4: {  	s18 =	sshll.u32 s0, $0xA;
	s2 =	sadd.s32 s3, s2  }
0x5: {  	s2 =	sadd.s32 s2, s18  }
0x6: {  	[smem:$0x3FC5] =	sst s2  }
0x7: {  	_ = 	snop  }
0x8: {  	s2 =	sld [smem:$0x3FD0];
	(tm) =	ssettm $0x1  }
0x9: {  	s19 =	sld [smem:$0x3FFB];
	_ =	sdelay $0x3  }
0xa: {  	_ =	strace s19  }
0xb: {  	s3 =	sld [smem:$0x3FFC];
	_ =	sdelay $0x3  }
0xc: {  	_ =	strace s3  }
0xd: {  	s3 =	sld [smem:$0x3FFD];
	_ =	sdelay $0x3  }
0xe: {  	_ =	strace s3  }
0xf: {  	_ =	strace $0x8FFFFFFF  }
0x10: {  	s20 =	sld [smem:$0x3FDB];
	_ =	sdelay $0x1  }
0x11: {  	s4 =	simm.s32 $_scs_section_size  }
0x12: {  	s5 =	simm.s32 $_size__tile_overlayer_lowered;
	s6 =	simm.s32 $_tile_overlayer_lowered  }
0x13: {  	s23 =	simm.s32 $0x1BFF;
	s22 =	sshll.u32 s6, $0x1;
	s3 =	sadd.s32 s4, s20  }
0x14: {  	s7 =	simm.s32 $0x0;
	s21 =	sshll.u32 s5, $0x1;
	s5 =	sadd.s32 s22, s3  }
0x15: {  	[timem:s7], [sflag:s23] =	dma.local [hbm:s5], s21  }
0x16: {  	_ =	swait.ge [sflag:s23], s21  }
0x17: {  	s4 =	ssub.s32 $0x0, s21;
	[sflag:s23] =	ssyncset.done $0x0  }
0x18: {  	[sflag:s23] =	ssyncadd.s32 s4;
	_ =	sdelay $0x1  }
0x19: {  	s24 =	simm.s32 $0x1B8B  }
0x1a: {  	_ =	swait.ge [sflag:s24], $0x1  }
0x1b: {  	[sflag:s24] =	ssyncset.done $0x0  }
0x1c: {  	s26 =	simm.s32 $0x1B8E;
	s25 =	sld [smem:$0x3FFE];
	[sflag:s24] =	ssyncadd.s32 $0xFFFFFFFF  }
0x1d: {  	s27 =	simm.s32 $execute0_lowered;
	[smem:$0x3FD2] =	sst s26  }
0x1e: {  	s5 =	sshll.u32 s27, $0x1;
	_ =	strace $0x80000049;
	[dreg:$0x1] =	wrdreg $0xFFFFFFFF  }
0x1f: {  	s28 =	simm.s32 $_size_execute0_lowered;
	s3 =	sadd.s32 s3, s5;
	[dreg:$0x0] =	wrdreg $0x0  }
0x20: {  	s5 =	sshll.u32 s28, $0x1;
	[dreg:$0x2] =	wrdreg s3  }
0x21: {  	[dreg:$0x3] =	wrdreg s5  }
0x22: {  	[dreg:$0x4] =	wrdreg $0xC0  }
0x23: {  	_ =	task [dreg:s7], $0x5FFFF  }
0x24: {  	[dreg:$0x1] =	wrdreg $0xFFFFFFFF  }
0x25: {  	[dreg:$0x0] =	wrdreg $0x60  }
0x26: {  	[dreg:$0x2] =	wrdreg s25  }
0x27: {  	[dreg:$0x3] =	wrdreg s2  }
0x28: {  	[dreg:$0x4] =	wrdreg $0x9  }
0x29: {  	_ =	task.clear_ibuf [dreg:s7], $0x5FFFF;
	_ =	strace $0x90000049  }
0x2a: {  	s29 =	simm.s32 $0x9;
	_ =	strace $0x8000004B  }
0x2b: {  	_ =	swait.ge [sflag:s29], $0x1  }
0x2c: {  	[sflag:s29] =	ssyncadd.s32 $0xFFFFFFFF  }
0x2d: {  	_ =	strace $0x9000004B  }
0x2e: {  	_ =	sfence  }
0x2f: {  	s30 =	sld [smem:$0x0];
	_ =	sdelay $0x2  }
0x30: {  	s31 =	sshll.u32 s1, $0xD;
	s1 =	sshrl.u32 s1, $0x2  }
0x31: {  	s3 =	sand.u32 $0x4000, s31;
	s1 =	sadd.s32 s1, s30  }
0x32: {  	s0 =	sor.u32 s3, s0;
	s1 =	sshll.u32 s1, $0x11  }
0x33: {  	s0 =	sor.u32 s1, s0  }
0x34: {  	s0 =	sadd.s32 $0x8F2B, s0  }
0x35: {  	[sflag:s0] =	ssyncadd.remote.s32 $0x1  }
0x36: {  	_ =	sfence.sel $0xFFFF  }
0x37: {  	[dreg:$0x0] =	wrdreg $0xFFFFFFFF;
	(pc) =	sbr.abs _section_cstart, $3  }
0x38: {  	[dreg:$0x1] =	wrdreg $0xFFFFFFFF  }
0x39: {  	_ =	task.clear_ibuf [dreg:s7], $0x2FFFF;
	_ =	strace $0x9FFFFFFF  }
0x3a: {  	(tm) =	ssettm $0x7FFFFFFF  }
0x3b: {  	_ =	shalt  }
tec
execute0_lowered:
.L_overlay_start_1:
0x0: {  	(tag) =	ssettag $0x1  }
0x1: {  	s4 =	rddreg [dreg:$0x0]  }
0x2: {  	s2 =	rddreg [dreg:$0x1]  }
0x3: {  	s0 =	stileid.u32;
	s1 =	rddreg [dreg:$0x2];
	_ =	strace $0x8000004A  }
0x4: {  	s6 =	srdreg.scid;
	s31 =	simm.s32 $0x2;
	s15 =	simm.s32 $0x0  }
0x5: {  	s17 =	simm.s32 $0x0;
	s18 =	simm.s32 $0x0;
	s16 =	simm.s32 $0x0  }
0x6: {  	s10 =	simm.s32 $0x0;
	s11 =	simm.s32 $0x0;
	s3 =	sshll.u32 s0, $0x7  }
0x7: {  	s14 =	simm.s32 $0x0;
	s6 =	sshll.u32 s6, $0x4;
	s3 =	sand.u32 $0x180, s3  }
0x8: {  	s4 =	sadd.s32 $0x400C00, s4;
	s6 =	sand.u32 $0x10, s6;
	s5 =	ssub.s32 $0x200, s3  }
0x9: {  	s7 =	sand.u32 $0x180, s5;
	s8 =	sshrl.u32 s5, $0x9;
	s5 =	simm.s32 $0x1  }
.Ltmp0:
0xa: {  	p0 =	sne.s32 s7, $0x0;
	s7 =	simm.s32 $0x1;
	(pc) =	sbr.rel .LBB1_1-.Ltmp0, $4  }
0xb: {  	s9 =	sor.u32 s0, s6;
	[sflag:s5] =	ssyncpa.u1 $0x0;
	s7 =	simm.s32 @!p0 $0x0  }
0xc: {  	s13 =	smov.u32 s3;
	[sflag:s31] =	ssyncpa.u1 $0x0;
	s30 =	sadd.s32 s7, s8  }
0xd: {  	p0 =	por $0x0, $0x0;
	s7 =	sshrl.u32 s9, $0x2;
	s6 =	sshll.u32 s30, $0x6  }
0xe: {  	s9 =	simm.s32 $0x1000;
	s12 =	smov.u32 s7;
	s8 =	sor.u32 $0x1, s6  }
.LBB1_4:
0xf: {  	v5 =	vld [tilespmem:s22+$0xFFFFFFD0];
	[tilespmem:s21+$0x2040 ss:$0x81] =	vst.msk $0xffff, v1  }
0x10: {  	v58 =	vld [tilespmem:s22+$0xFFFFFFE0];
	[tilespmem:s21+$0x2850 ss:$0x81] =	vst.msk $0xffff, v2  }
0x11: {  	s23 =	sshra.s32 s23, $0x2;
	v59 =	vld [tilespmem:s22+$0xFFFFFFF0];
	[tilespmem:s21+$0x3060 ss:$0x81] =	vst.msk $0xffff, v3  }
0x12: {  	v60 =	vld [tilespmem:s22+$0x0];
	[tilespmem:s21+$0x0 ss:$0x81] =	vst.msk $0xffff, v0;
	s20 =	sadd.s32 s23, s20  }
0x13: {  	v61 =	vld [tilespmem:s22+$0x10];
	[tilespmem:s20+$0x3870 ss:$0x81] =	vst.msk $0xffff, v4  }
0x14: {  	v62 =	vld [tilespmem:s22+$0x20];
	[tilespmem:s20+$0x810 ss:$0x81] =	vst.msk $0xffff, v5  }
0x15: {  	v63 =	vld [tilespmem:s22+$0xFFFFFFC0];
	s29 =	sand.u32 $0x78, s16;
	s30 =	sshll.u32 s16, $0x3;
	[tilespmem:s20+$0x1020 ss:$0x81] =	vst.msk $0xffff, v58  }
0x16: {  	s18 =	sshll.u32 s18, $0x7;
	s17 =	sshll.u32 s17, $0x12;
	s22 =	sand.u32 $0xC00, s30;
	[tilespmem:s20+$0x1830 ss:$0x81] =	vst.msk $0xffff, v59  }
0x17: {  	s15 =	sshll.u32 s15, $0x9;
	s18 =	sand.u32 $0x380, s18;
	s21 =	sor.u32 s29, s22;
	[tilespmem:s20+$0x2040 ss:$0x81] =	vst.msk $0xffff, v60  }
0x18: {  	s31 =	sand.u32 $0x7, s16;
	s17 =	sadd.s32 s2, s17;
	s18 =	sor.u32 s18, s21;
	[tilespmem:s20+$0x2850 ss:$0x81] =	vst.msk $0xffff, v61  }
0x19: {  	s16 =	sshll.u32 s31, $0x12;
	s15 =	sadd.s32 s15, s17;
	s18 =	sshrl.u32 s18, $0x3;
	[tilespmem:s20+$0x3060 ss:$0x81] =	vst.msk $0xffff, v62  }
0x1a: {  	s16 =	sor.u32 $0x80, s16;
	[tilespmem:s20+$0x0 ss:$0x81] =	vst.msk $0xffff, v63;
	s15 =	sadd.s32 s18, s15  }
0x1b: {  	[hbm4b:s15+s16] =	stream.strided.scatter [tilespmem:s19], [sflag:$0x2], $0x4000, s9, s16, $0x20;
	[tilespmem:$0x10100] =	vst v63  }
.LBB1_5:
0x1c: {  	s19 =	sadd.s32 $0x80, s10  }
0x1d: {  	s15 =	simm.s32 $0x1;
	p2 =	sgt.s32 s19, $0x1FF  }
0x1e: {  	s15 =	simm.s32 @!p2 $0x0  }
0x1f: {  	s20 =	sadd.s32 s15, s11  }
0x20: {  	s21 =	smov.u32 s12;
	s15 =	sadd.s32 $0x8, s12;
	p3 =	sgt.s32 s20, $0xF  }
0x21: {  	s21 =	smov.u32 @p3 s15  }
0x22: {  	s22 =	smov.u32 s13;
	s15 =	sadd.s32 $0x200, s13;
	p4 =	sgt.s32 s21, $0x7  }
0x23: {  	p1 =	slt.u32 s14, $0x2;
	s22 =	smov.u32 @p4 s15  }
0x24: {  	s17 =	smov.u32 s11;
	s19 =	simm.s32 @p2 $0x0;
	p2 =	sgt.s32 s22, $0x1FF  }
0x25: {  	s23 =	simm.s32 @!p1 $0x2;
	s22 =	smov.u32 @p2 s3;
	p2 =	sne.s32 s14, s8  }
.Ltmp1:
0x26: {  	s18 =	smov.u32 s12;
	_ =	swait.ge @!p1 [sflag:s23], $0x4000;
	(pc) =	sbr.rel @!p2 .LBB1_6-.Ltmp1, $4  }
0x27: {  	s16 =	smov.u32 s13;
	[sflag:s23] =	ssyncset.done @!p1 $0x0;
	s20 =	simm.s32 @p3 $0x0  }
0x28: {  	p0 =	por !p0, !p0;
	[sflag:s23] =	ssyncadd.s32 @!p1 $0xFFFFC000;
	s11 =	smov.u32 s20  }
0x29: {  	s21 =	smov.u32 @p4 s7;
	s15 =	smov.u32 s10;
	s10 =	smov.u32 s19  }
0x2a: {  	s12 =	smov.u32 s21;
	s14 =	sadd.s32 $0x1, s14;
	s13 =	smov.u32 s22  }
.LBB1_1:
0x2b: {  	p1 =	sge.u32 s14, s6;
	s31 =	sadd.s32 $0xFFFFFFFF, s14  }
0x2c: {  	s19 =	sxor.u32 @!p1 $0xFFFFFFFF, s14;
	s20 =	sand.u32 @!p1 $0x78, s10;
	s21 =	sshll.u32 @!p1 s11, $0x9  }
0x2d: {  	s22 =	sshll.u32 @!p1 s10, $0x3;
	s23 =	sshll.u32 @!p1 s11, $0x7;
	s19 =	sshll.u32 @!p1 s19, $0xE  }
0x2e: {  	s21 =	sand.u32 @!p1 $0x1000, s21;
	s22 =	sand.u32 @!p1 $0x1C00, s22;
	s19 =	sand.u32 @!p1 $0x4000, s19  }
0x2f: {  	s21 =	sadd.s32 @!p1 s21, s22;
	s22 =	sand.u32 @!p1 $0x200, s23;
	s23 =	sand.u32 @!p1 $0x180, s23  }
0x30: {  	s21 =	sor.u32 @!p1 s22, s21;
	s20 =	sor.u32 @!p1 s20, s23;
	s22 =	sshll.u32 @!p1 s13, $0xD  }
0x31: {  	s23 =	sshll.u32 @!p1 s12, $0xA;
	s21 =	sshrl.u32 @!p1 s21, $0x3;
	s22 =	sadd.s32 @!p1 s4, s22  }
0x32: {  	s20 =	sshrl.u32 @!p1 s20, $0x3;
	s22 =	sadd.s32 @!p1 s23, s22;
	s23 =	sand.u32 @!p1 $0x7, s10  }
0x33: {  	s21 =	sand.u32 @!p1 $0x3C0, s21;
	s20 =	sadd.s32 @!p1 s20, s22;
	s22 =	sshll.u32 @!p1 s23, $0x12  }
0x34: {  	s20 =	sadd.s32 @!p1 s21, s20;
	s21 =	sor.u32 @!p1 $0x80, s22;
	s22 =	simm.s32 @!p1 $0x10000  }
0x35: {  	[tilespmem:s19], [sflag:$0x1] =	stream.strided.gather @!p1 [hbm4b:s20+s21], $0x4000, s22, s21, $0x38;
	[tilespmem:$0x10100] =	vst v63  }
0x36: {  	p1 =	sge.u32 s31, s6  }
.Ltmp2:
0x37: {  	_ = 	snop;
	(pc) =	sbr.rel @p1 .LBB1_5-.Ltmp2, $1  }
0x38: {  	_ =	sdelay $0x3  }
0x39: {  	s19 =	simm.s32 $0x1  }
0x3a: {  	_ =	swait.ge [sflag:s5], $0x4000;
	s19 =	simm.s32 @!p0 $0x0  }
0x3b: {  	[sflag:s5] =	ssyncset.done $0x0;
	s20 =	sshll.u32 s19, $0xE  }
0x3c: {  	[sflag:s5] =	ssyncadd.s32 $0xFFFFC000;
	s22 =	sor.u32 $0x40, s20  }
0x3d: {  	s19 =	smul.u32 $0x10200, s19;
	v0 =	vld [tilespmem:s22+$0x30]  }
0x3e: {  	v3 =	vld [tilespmem:s22+$0xFFFFFFD0]  }
0x3f: {  	s19 =	sshrl.u32 s19, $0x2;
	v4 =	vld [tilespmem:s22+$0xFFFFFFE0]  }
0x40: {  	v5 =	vld [tilespmem:s22+$0xFFFFFFF0];
	s20 =	sor.u32 $0x8000, s19  }
0x41: {  	s31 =	sand.u32 $0x1, s14;
	v1 =	vld [tilespmem:s22+$0x0];
	s21 =	sadd.s32 $0x0, s20  }
0x42: {  	v2 =	vld [tilespmem:s22+$0x10];
	s19 =	smul.u32 $0x10200, s31;
	[tilespmem:s21+$0x3870 ss:$0x81] =	vst.msk $0xffff, v0  }
0x43: {  	[tilespmem:s21+$0x810 ss:$0x81] =	vst.msk $0xffff, v3;
	v3 =	vld [tilespmem:s22+$0x20]  }
0x44: {  	s19 =	sshrl.u32 s19, $0x2;
	v0 =	vld [tilespmem:s22+$0xFFFFFFC0];
	[tilespmem:s21+$0x1020 ss:$0x81] =	vst.msk $0xffff, v4;
	s22 =	sadd.s32 $0x80, s22  }
0x45: {  	s23 =	simm.s32 $0x4;
	s24 =	simm.s32 $0x8;
	s19 =	sor.u32 $0x8000, s19;
	[tilespmem:s21+$0x1830 ss:$0x81] =	vst.msk $0xffff, v5;
	v4 =	vld [tilespmem:s22+$0x30]  }
.LBB1_3:
0x46: {  	p1 =	sne.s32 s24, $0x1FC;
	v5 =	vld [tilespmem:s22+$0xFFFFFFD0];
	[tilespmem:s21+$0x2040 ss:$0x81] =	vst.msk $0xffff, v1  }
0x47: {  	v6 =	vld [tilespmem:s22+$0xFFFFFFE0];
	[tilespmem:s21+$0x2850 ss:$0x81] =	vst.msk $0xffff, v2  }
0x48: {  	s25 =	sshra.s32 s23, $0x2;
	s23 =	smov.u32 s24;
	v7 =	vld [tilespmem:s22+$0xFFFFFFF0];
	[tilespmem:s21+$0x3060 ss:$0x81] =	vst.msk $0xffff, v3  }
.Ltmp3:
0x49: {  	v1 =	vld [tilespmem:s22+$0x0];
	[tilespmem:s21+$0x0 ss:$0x81] =	vst.msk $0xffff, v0;
	s21 =	sadd.s32 s25, s20;
	(pc) =	sbr.rel @p1 .LBB1_3-.Ltmp3, $4  }
0x4a: {  	v2 =	vld [tilespmem:s22+$0x10];
	[tilespmem:s21+$0x3870 ss:$0x81] =	vst.msk $0xffff, v4  }
0x4b: {  	[tilespmem:s21+$0x810 ss:$0x81] =	vst.msk $0xffff, v5;
	v3 =	vld [tilespmem:s22+$0x20]  }
0x4c: {  	v0 =	vld [tilespmem:s22+$0xFFFFFFC0];
	[tilespmem:s21+$0x1020 ss:$0x81] =	vst.msk $0xffff, v6;
	s22 =	sadd.s32 $0x80, s22  }
0x4d: {  	s24 =	sadd.s32 $0x4, s24;
	v4 =	vld [tilespmem:s22+$0x30];
	[tilespmem:s21+$0x1830 ss:$0x81] =	vst.msk $0xffff, v7  }
.Ltmp4:
0x4e: {  	_ = 	snop;
	(pc) =	sbr.rel .LBB1_4-.Ltmp4, $1  }
0x4f: {  	_ =	sdelay $0x3  }
.LBB1_6:
0x50: {  	_ =	sfence.sel $0x180000  }
0x51: {  	s2 =	simm.s32 $0x1;
	[bflag:$0x0] =	sbarrier.arrive $0xFFFF  }
0x52: {  	s31 =	simm.s32 $0x2;
	[sflag:s2] =	ssyncpa.u1 $0x1  }
0x53: {  	[sflag:s31] =	ssyncpa.u1 $0x1  }
0x54: {  	p0 =	sne.s32 s0, $0x0;
	_ =	strace $0x9000004A  }
0x55: {  	s0 =	sadd.s32 @!p0 $0x100000, s1;
	[bflag:$0x2] =	sbarrier.arrive $0xFFFF  }
0x56: {  	[sflag:s0] =	ssyncadd.tile.s32 @!p0 $0x1;
	_ =	shalt  }
.Lfunc_end1:
_tile_overlayer_lowered:
.L_overlay_start_2:
0x57: {  	(tag) =	ssettag $0x2  }
0x58: {  	s0 =	rddreg [dreg:$0x0];
	s2 =	stileid.u32  }
0x59: {  	s1 =	rddreg [dreg:$0x1];
	p0 =	sne.s32 s2, $0x0  }
0x5a: {  	s3 =	rddreg [dreg:$0x2];
	[bflag:$0x3] =	sbarrier.arrive $0xFFFF;
	s2 =	simm.s32 @!p0 $0x1C01  }
0x5b: {  	[timem:s3], [sflag:s2] =	dma.local @!p0 [hbm:s0], s1  }
0x5c: {  	s0 =	simm.s32 @!p0 $0x1  }
0x5d: {  	_ =	swait.ge @!p0 [sflag:s0], s1  }
0x5e: {  	s1 =	ssub.s32 @!p0 $0x0, s1;
	[sflag:s0] =	ssyncset.done @!p0 $0x0  }
0x5f: {  	[sflag:s0] =	ssyncadd.s32 @!p0 s1  }
0x60: {  	[bflag:$0x3] =	sbarrier.arrive $0xFFFF  }
0x61: {  	_ =	shalt  }

</sc_bundles>
